<compile_context>
chip_gen: v7x
topology: tpu7x:2x2x1
jax: 0.10.2.dev20260603
libtpu: 0.0.44.dev20260713+nightly
codegen_flags: <defaults>
</compile_context>

<pallas_src>
import functools

import jax
import jax.numpy as jnp
from jax import lax
from jax.experimental import pallas as pl
from jax.experimental.pallas import tpu as pltpu
from jax.experimental.pallas import tpu_sc as plsc

_INTERPRET = False


def _sc_gather(emb, idx):
    n = idx.shape[0]
    d = emb.shape[1]
    nc, ns = 2, 16
    nw = nc * ns
    b_per_w = n // nw

    mesh = plsc.VectorSubcoreMesh(core_axis_name="c", subcore_axis_name="s")

    @functools.partial(
        pl.kernel,
        mesh=mesh,
        out_type=jax.ShapeDtypeStruct((n, d), jnp.float32),
        scratch_types=[
            pltpu.VMEM((b_per_w,), jnp.int32),
            pltpu.VMEM((b_per_w, d), jnp.float32),
            pltpu.SemaphoreType.DMA,
        ],
    )
    def k(idx_hbm, table_hbm, out_hbm, idx_v, rows_v, sem):
        wid = lax.axis_index("s") * nc + lax.axis_index("c")
        base = wid * b_per_w
        pltpu.sync_copy(idx_hbm.at[pl.ds(base, b_per_w)], idx_v)
        pltpu.async_copy(table_hbm.at[idx_v], rows_v, sem).wait()
        pltpu.sync_copy(rows_v, out_hbm.at[pl.ds(base, b_per_w)])

    return k(idx, emb)


_DN_T = (((1,), (1,)), ((), ()))


def _mm_bias_krn(a_ref, b_ref, bias_ref, out_ref):
    out_ref[...] = (
        jax.lax.dot_general(
            a_ref[...].astype(jnp.bfloat16),
            b_ref[...].astype(jnp.bfloat16),
            _DN_T,
            preferred_element_type=jnp.float32,
        )
        + bias_ref[...]
    ).astype(jnp.bfloat16)


def _matmul_bias(a, b, bias, row_block=512):
    n, k = a.shape
    m = b.shape[0]
    return pl.pallas_call(
        _mm_bias_krn,
        grid=(n // row_block,),
        in_specs=[
            pl.BlockSpec((row_block, k), lambda i: (i, 0)),
            pl.BlockSpec((m, k), lambda i: (0, 0)),
            pl.BlockSpec((1, m), lambda i: (0, 0)),
        ],
        out_specs=pl.BlockSpec((row_block, m), lambda i: (i, 0)),
        out_shape=jax.ShapeDtypeStruct((n, m), jnp.bfloat16),
        interpret=_INTERPRET,
    )(a, b, bias)


def _dot_t(a, b):
    return jax.lax.dot_general(
        a.astype(jnp.bfloat16), b, _DN_T, preferred_element_type=jnp.float32
    )


def _lstm_el(gates, c, hidden):
    i = jax.nn.sigmoid(gates[:, :hidden])
    f = jax.nn.sigmoid(gates[:, hidden : 2 * hidden])
    g = jnp.tanh(gates[:, 2 * hidden : 3 * hidden])
    o = jax.nn.sigmoid(gates[:, 3 * hidden :])
    c = f * c + i * g
    return o * jnp.tanh(c), c


def _recurrence_krn(x_ref, whh_ref, out_ref, *, seq_len, hidden, unroll):
    b = x_ref.shape[1]

    def step(t, carry):
        h, c = carry
        g = x_ref[t].astype(jnp.float32) + _dot_t(h, whh_ref[...])
        h, c = _lstm_el(g, c, hidden)
        out_ref[t] = h.astype(jnp.bfloat16)
        return (h, c)

    z = jnp.zeros((b, hidden), jnp.float32)
    jax.lax.fori_loop(0, seq_len, step, (z, z), unroll=unroll)


def _recurrence(x, whh_bf, unroll=4):
    s, b, four_h = x.shape
    hidden = four_h // 4
    return pl.pallas_call(
        functools.partial(
            _recurrence_krn, seq_len=s, hidden=hidden, unroll=unroll
        ),
        out_shape=jax.ShapeDtypeStruct((s, b, hidden), jnp.bfloat16),
        interpret=_INTERPRET,
    )(x, whh_bf)


def _fc_krn(a_ref, w_ref, bias_ref, out_ref):
    out_ref[...] = (
        jax.lax.dot_general(
            a_ref[...].astype(jnp.bfloat16),
            w_ref[...].astype(jnp.bfloat16),
            _DN_T,
            preferred_element_type=jnp.float32,
        )
        + bias_ref[...]
    )


def _fc(last, fc_w, fc_b2d, vocab_block=3200):
    b, h = last.shape
    v = fc_w.shape[0]
    return pl.pallas_call(
        _fc_krn,
        grid=(v // vocab_block,),
        in_specs=[
            pl.BlockSpec((b, h), lambda i: (0, 0)),
            pl.BlockSpec((vocab_block, h), lambda i: (i, 0)),
            pl.BlockSpec((1, vocab_block), lambda i: (0, i)),
        ],
        out_specs=pl.BlockSpec((b, vocab_block), lambda i: (0, i)),
        out_shape=jax.ShapeDtypeStruct((b, v), jnp.float32),
        interpret=_INTERPRET,
    )(last, fc_w, fc_b2d)


def kernel(x, emb, W_ih, W_hh, b_ih, b_hh, fc_W, fc_b):
    batch, seq_len = x.shape
    hidden = emb.shape[1]

    idx = x.T.reshape(-1).astype(jnp.int32)
    e = _sc_gather(emb, idx)

    seq = e
    for l in range(W_ih.shape[0]):
        bias = (b_ih[l] + b_hh[l]).reshape(1, -1)
        gates_x = _matmul_bias(seq, W_ih[l], bias)
        hs = _recurrence(
            gates_x.reshape(seq_len, batch, -1), W_hh[l].astype(jnp.bfloat16)
        )
        seq = hs.reshape(seq_len * batch, hidden)

    last = seq[-batch:]
    logits = _fc(last, fc_W, fc_b.reshape(1, -1))
    return logits

# --- scband reference (transcript-rebuilt; emitter-appended) ---
"""Pipeline reference for scband-language-model-60112362275373 (READ-ONLY COPY).

The authoritative reference and input builder live on the scoring server;
editing this copy changes nothing except your own understanding.
"""

import jax, jax.numpy as jnp
import numpy as np

VOCAB = 32000
HIDDEN = 1024
NUM_LAYERS = 2
BATCH = 32
SEQ = 64


def setup_inputs(seed: int = 0) -> dict:
    key = jax.random.key(seed)
    ks = jax.random.split(key, 8)
    x = jax.random.randint(ks[0], (BATCH, SEQ), 0, VOCAB)
    emb = jax.random.normal(ks[1], (VOCAB, HIDDEN), dtype=jnp.float32) * 0.02
    W_ih = jax.random.normal(ks[2], (NUM_LAYERS, 4 * HIDDEN, HIDDEN), dtype=jnp.float32) * 0.02
    W_hh = jax.random.normal(ks[3], (NUM_LAYERS, 4 * HIDDEN, HIDDEN), dtype=jnp.float32) * 0.02
    b_ih = jnp.zeros((NUM_LAYERS, 4 * HIDDEN), dtype=jnp.float32)
    b_hh = jnp.zeros((NUM_LAYERS, 4 * HIDDEN), dtype=jnp.float32)
    fc_W = jax.random.normal(ks[4], (VOCAB, HIDDEN), dtype=jnp.float32) * 0.02
    fc_b = jnp.zeros((VOCAB,), dtype=jnp.float32)
    return {"x": x, "emb": emb, "W_ih": W_ih, "W_hh": W_hh, "b_ih": b_ih, "b_hh": b_hh, "fc_W": fc_W, "fc_b": fc_b}


def _lstm_layer(xs, Wih, Whh, bih, bhh):
    # xs: [S, B, H_in] time-major. PyTorch gate order: i, f, g, o.
    B = xs.shape[1]
    H = Whh.shape[1]
    h0 = jnp.zeros((B, H), dtype=xs.dtype)
    c0 = jnp.zeros((B, H), dtype=xs.dtype)

    def step(carry, x_t):
        h, c = carry
        gates = x_t @ Wih.T + bih + h @ Whh.T + bhh
        i, f, g, o = jnp.split(gates, 4, axis=-1)
        i = jax.nn.sigmoid(i)
        f = jax.nn.sigmoid(f)
        g = jnp.tanh(g)
        o = jax.nn.sigmoid(o)
        c_new = f * c + i * g
        h_new = o * jnp.tanh(c_new)
        return (h_new, c_new), h_new

    (_, _), ys = jax.lax.scan(step, (h0, c0), xs)
    return ys


def reference(x, emb, W_ih, W_hh, b_ih, b_hh, fc_W, fc_b):
    # embedding lookup (SparseCore gather)
    out = jnp.take(emb, x, axis=0)  # [B, S, H]
    seq = jnp.transpose(out, (1, 0, 2))  # [S, B, H]
    for l in range(NUM_LAYERS):
        seq = _lstm_layer(seq, W_ih[l], W_hh[l], b_ih[l], b_hh[l])
    last = seq[-1]  # [B, H] == out[:, -1, :]
    logits = last @ fc_W.T + fc_b  # [B, VOCAB]
    return logits

if __name__ == "__main__":
    import jax
    _d = setup_inputs()
    print(jax.jit(kernel)(*tuple(_d.values())))

</pallas_src>

<mosaic_0001>
#map = affine_map<(d0, d1) -> (0)>
#map1 = affine_map<(d0, d1) -> (0, 0)>
module attributes {stable_mosaic.version = 14 : i64} {
  func.func @k(%arg0: i32, %arg1: i32, %arg2: memref<2048xi32, #tpu.memory_space<hbm>>, %arg3: memref<32000x1024xf32, #tpu.memory_space<hbm>>, %arg4: memref<2048x1024xf32, #tpu.memory_space<hbm>>, %arg5: memref<64xi32, #tpu.memory_space<vmem>>, %arg6: memref<64x1024xf32, #tpu.memory_space<vmem>>, %arg7: memref<!tpu.dma_semaphore, #tpu.memory_space<semaphore_mem>>) attributes {dimension_semantics = [#tpu.dimension_semantics<core_parallel>, #tpu.dimension_semantics<subcore_parallel>], iteration_bounds = array<i64: 2, 16>, scalar_prefetch = 0 : i64, scratch_operands = 3 : i64, tpu.core_type = #tpu.core_type<sc_vector_subcore>, window_params = [{transform_indices = #map}, {transform_indices = #map1}, {transform_indices = #map1}]} {
    %mul3A = arith.constant 2 : i32
    %mul3A_0 = arith.muli %arg1, %mul3A : i32
    %add3A = arith.addi %mul3A_0, %arg0 : i32
    %mul3A_1 = arith.constant 64 : i32
    %mul3A_2 = arith.muli %add3A, %mul3A_1 : i32
    "tpu.region"() ({
      %run_scoped3A = tpu.sem_alloc : memref<!tpu.dma_semaphore, #tpu.memory_space<semaphore_mem>>
      %dma_start3A_7 = tpu.memref_slice %arg2[%mul3A_2] : memref<2048xi32, #tpu.memory_space<hbm>> -> memref<64xi32, #tpu.memory_space<hbm>>
      %dma_start3A_8 = tpu.memref_slice %arg2[%mul3A_2] : memref<2048xi32, #tpu.memory_space<hbm>> -> memref<64xi32, #tpu.memory_space<hbm>>
      tpu.enqueue_dma source(%dma_start3A_8 : memref<64xi32, #tpu.memory_space<hbm>>) target(%arg5 : memref<64xi32, #tpu.memory_space<vmem>>) target_semaphore(%run_scoped3A : memref<!tpu.dma_semaphore, #tpu.memory_space<semaphore_mem>>)
      %dma_wait3A_9 = tpu.memref_slice %arg2[%mul3A_2] : memref<2048xi32, #tpu.memory_space<hbm>> -> memref<64xi32, #tpu.memory_space<hbm>>
      %dma_wait3A_10 = tpu.memref_slice %arg2[%mul3A_2] : memref<2048xi32, #tpu.memory_space<hbm>> -> memref<64xi32, #tpu.memory_space<hbm>>
      tpu.wait_dma2 semaphore(%run_scoped3A : memref<!tpu.dma_semaphore, #tpu.memory_space<semaphore_mem>>) src(%dma_wait3A_10 : memref<64xi32, #tpu.memory_space<hbm>>) dst(%arg5 : memref<64xi32, #tpu.memory_space<vmem>>)
      tpu.yield
    }) : () -> ()
    %dma_start3A = arith.constant 0 : i32
    %dma_start3A_3 = arith.constant 0 : i32
    %dma_start3A_4 = tpu.memref_slice %arg3[%dma_start3A, %dma_start3A_3] : memref<32000x1024xf32, #tpu.memory_space<hbm>> -> memref<32000x1024xf32, #tpu.memory_space<hbm>>
    tpu.enqueue_indirect_dma source(%dma_start3A_4 : memref<32000x1024xf32, #tpu.memory_space<hbm>>) target(%arg6 : memref<64x1024xf32, #tpu.memory_space<vmem>>) offsets(%arg5 : memref<64xi32, #tpu.memory_space<vmem>>) semaphore(%arg7 : memref<!tpu.dma_semaphore, #tpu.memory_space<semaphore_mem>>)
    %dma_wait3A = arith.constant 0 : i32
    %dma_wait3A_5 = arith.constant 0 : i32
    %dma_wait3A_6 = tpu.memref_slice %arg3[%dma_wait3A, %dma_wait3A_5] : memref<32000x1024xf32, #tpu.memory_space<hbm>> -> memref<32000x1024xf32, #tpu.memory_space<hbm>>
    tpu.wait_indirect_dma semaphore(%arg7 : memref<!tpu.dma_semaphore, #tpu.memory_space<semaphore_mem>>) src(%dma_wait3A_6 : memref<32000x1024xf32, #tpu.memory_space<hbm>>) dst(%arg6 : memref<64x1024xf32, #tpu.memory_space<vmem>>)
    "tpu.region"() ({
      %run_scoped3A = tpu.sem_alloc : memref<!tpu.dma_semaphore, #tpu.memory_space<semaphore_mem>>
      %dma_start3A_7 = arith.constant 0 : i32
      %dma_start3A_8 = tpu.memref_slice %arg4[%mul3A_2, %dma_start3A_7] : memref<2048x1024xf32, #tpu.memory_space<hbm>> -> memref<64x1024xf32, #tpu.memory_space<hbm>>
      %dma_start3A_9 = arith.constant 0 : i32
      %dma_start3A_10 = tpu.memref_slice %arg4[%mul3A_2, %dma_start3A_9] : memref<2048x1024xf32, #tpu.memory_space<hbm>> -> memref<64x1024xf32, #tpu.memory_space<hbm>>
      tpu.enqueue_dma source(%arg6 : memref<64x1024xf32, #tpu.memory_space<vmem>>) target(%dma_start3A_10 : memref<64x1024xf32, #tpu.memory_space<hbm>>) target_semaphore(%run_scoped3A : memref<!tpu.dma_semaphore, #tpu.memory_space<semaphore_mem>>)
      %dma_wait3A_11 = arith.constant 0 : i32
      %dma_wait3A_12 = tpu.memref_slice %arg4[%mul3A_2, %dma_wait3A_11] : memref<2048x1024xf32, #tpu.memory_space<hbm>> -> memref<64x1024xf32, #tpu.memory_space<hbm>>
      %dma_wait3A_13 = arith.constant 0 : i32
      %dma_wait3A_14 = tpu.memref_slice %arg4[%mul3A_2, %dma_wait3A_13] : memref<2048x1024xf32, #tpu.memory_space<hbm>> -> memref<64x1024xf32, #tpu.memory_space<hbm>>
      tpu.wait_dma2 semaphore(%run_scoped3A : memref<!tpu.dma_semaphore, #tpu.memory_space<semaphore_mem>>) src(%arg6 : memref<64x1024xf32, #tpu.memory_space<vmem>>) dst(%dma_wait3A_14 : memref<64x1024xf32, #tpu.memory_space<hbm>>)
      tpu.yield
    }) : () -> ()
    return
  }
}

module attributes {stable_mosaic.version = 14 : i64} {
  func.func @_mm_bias_krn(%arg0: i32, %arg1: memref<512x1024xf32, #tpu.memory_space<vmem>>, %arg2: memref<4096x1024xf32, #tpu.memory_space<vmem>>, %arg3: memref<1x4096xf32, #tpu.memory_space<vmem>>, %arg4: memref<512x4096xbf16, #tpu.memory_space<vmem>>) attributes {dimension_semantics = [#tpu.dimension_semantics<arbitrary>], iteration_bounds = array<i64: 4>, scalar_prefetch = 0 : i64, scratch_operands = 0 : i64, tpu.core_type = #tpu.core_type<tc>, window_params = [{transform_indices = @transform_0, window_bounds = array<i64: 512, 1024>}, {pipeline_mode = #tpu.pipeline_mode<synchronous>, transform_indices = @transform_1, window_bounds = array<i64: 4096, 1024>}, {pipeline_mode = #tpu.pipeline_mode<synchronous>, transform_indices = @transform_2, window_bounds = array<i64: 1, 4096>}, {transform_indices = @transform_3, window_bounds = array<i64: 512, 4096>}]} {
    %get3A = arith.constant 0 : index
    %get3A_0 = arith.constant 0 : index
    %get3A_1 = vector.load %arg1[%get3A, %get3A_0] : memref<512x1024xf32, #tpu.memory_space<vmem>>, vector<512x1024xf32>
    %convert_element_type3A = arith.truncf %get3A_1 : vector<512x1024xf32> to vector<512x1024xbf16>
    %get3A_2 = arith.constant 0 : index
    %get3A_3 = arith.constant 0 : index
    %get3A_4 = vector.load %arg2[%get3A_2, %get3A_3] : memref<4096x1024xf32, #tpu.memory_space<vmem>>, vector<4096x1024xf32>
    %convert_element_type3A_5 = arith.truncf %get3A_4 : vector<4096x1024xf32> to vector<4096x1024xbf16>
    %dot_general3A = arith.constant dense<0.000000e+00> : vector<512x4096xf32>
    %dot_general3A_6 = tpu.matmul %convert_element_type3A, %convert_element_type3A_5, %dot_general3A {dimension_numbers = #tpu.dot_dimension_numbers<[1], [1], [0], [0], [0, 0, 1, 0], [], []>, transpose_lhs_hint = false} : vector<512x1024xbf16>, vector<4096x1024xbf16>, vector<512x4096xf32> -> vector<512x4096xf32>
    %get3A_7 = arith.constant 0 : index
    %get3A_8 = arith.constant 0 : index
    %get3A_9 = vector.load %arg3[%get3A_7, %get3A_8] : memref<1x4096xf32, #tpu.memory_space<vmem>>, vector<1x4096xf32>
    %add3A = vector.broadcast %get3A_9 : vector<1x4096xf32> to vector<512x4096xf32>
    %add3A_10 = arith.addf %dot_general3A_6, %add3A : vector<512x4096xf32>
    %convert_element_type3A_11 = arith.truncf %add3A_10 : vector<512x4096xf32> to vector<512x4096xbf16>
    %swap3A = arith.constant 0 : index
    %swap3A_12 = arith.constant 0 : index
    %swap3A_13 = vector.load %arg4[%swap3A, %swap3A_12] : memref<512x4096xbf16, #tpu.memory_space<vmem>>, vector<512x4096xbf16>
    tpu.vector_store %arg4[%swap3A, %swap3A_12], %convert_element_type3A_11 {strides = array<i32>} : memref<512x4096xbf16, #tpu.memory_space<vmem>>, vector<512x4096xbf16>,
    return
  }
  func.func @transform_0(%arg0: i32) -> (i32, i32) {
    %c0_i32 = arith.constant 0 : i32
    %c0_i32_0 = arith.constant 0 : i32
    return %arg0, %c0_i32 : i32, i32
  }
  func.func @transform_1(%arg0: i32) -> (i32, i32) {
    %c0_i32 = arith.constant 0 : i32
    %c0_i32_0 = arith.constant 0 : i32
    %c0_i32_1 = arith.constant 0 : i32
    return %c0_i32, %c0_i32_0 : i32, i32
  }
  func.func @transform_2(%arg0: i32) -> (i32, i32) {
    %c0_i32 = arith.constant 0 : i32
    %c0_i32_0 = arith.constant 0 : i32
    %c0_i32_1 = arith.constant 0 : i32
    return %c0_i32, %c0_i32_0 : i32, i32
  }
  func.func @transform_3(%arg0: i32) -> (i32, i32) {
    %c0_i32 = arith.constant 0 : i32
    %c0_i32_0 = arith.constant 0 : i32
    return %arg0, %c0_i32 : i32, i32
  }
}

module attributes {stable_mosaic.version = 14 : i64} {
  func.func @_recurrence_krn(%arg0: memref<64x32x4096xbf16, #tpu.memory_space<vmem>>, %arg1: memref<4096x1024xbf16, #tpu.memory_space<vmem>>, %arg2: memref<64x32x1024xbf16, #tpu.memory_space<vmem>>) attributes {dimension_semantics = [], scalar_prefetch = 0 : i64, scratch_operands = 0 : i64, tpu.core_type = #tpu.core_type<tc>} {
    %broadcast_in_dim3A = arith.constant 0.000000e+00 : f32
    %broadcast_in_dim3A_0 = vector.broadcast %broadcast_in_dim3A : f32 to vector<32x1024xf32>
    %scan3A = arith.constant 0 : i32
    %scan3A_1 = arith.constant 64 : i32
    %scan3A_2 = arith.addi %scan3A, %scan3A_1 : i32
    %scan3A_3 = arith.constant 4 : i32
    %scan3A_4:2 = scf.for %scan3A_6 = %scan3A to %scan3A_2 step %scan3A_3 iter_args(%scan3A_7 = %broadcast_in_dim3A_0, %scan3A_8 = %broadcast_in_dim3A_0) -> (vector<32x1024xf32>, vector<32x1024xf32>)  : i32 {
      %get3A = arith.index_cast %scan3A_6 : i32 to index
      %get3A_9 = arith.constant 0 : index
      %get3A_10 = arith.constant 0 : index
      %get3A_11 = vector.load %arg0[%get3A, %get3A_9, %get3A_10] : memref<64x32x4096xbf16, #tpu.memory_space<vmem>>, vector<1x32x4096xbf16>
      %get3A_12 = vector.shape_cast %get3A_11 : vector<1x32x4096xbf16> to vector<32x4096xbf16>
      %convert_element_type3A = arith.extf %get3A_12 : vector<32x4096xbf16> to vector<32x4096xf32>
      %get3A_13 = arith.constant 0 : index
      %get3A_14 = arith.constant 0 : index
      %get3A_15 = vector.load %arg1[%get3A_13, %get3A_14] : memref<4096x1024xbf16, #tpu.memory_space<vmem>>, vector<4096x1024xbf16>
      %convert_element_type3A_16 = arith.truncf %scan3A_7 : vector<32x1024xf32> to vector<32x1024xbf16>
      %dot_general3A = arith.constant dense<0.000000e+00> : vector<32x4096xf32>
      %dot_general3A_17 = tpu.matmul %convert_element_type3A_16, %get3A_15, %dot_general3A {dimension_numbers = #tpu.dot_dimension_numbers<[1], [1], [0], [0], [0, 0, 1, 0], [], []>, transpose_lhs_hint = false} : vector<32x1024xbf16>, vector<4096x1024xbf16>, vector<32x4096xf32> -> vector<32x4096xf32>
      %add3A = arith.addf %convert_element_type3A, %dot_general3A_17 : vector<32x4096xf32>
      %slice3A = vector.extract_strided_slice %add3A {offsets = [0, 0], sizes = [32, 1024], strides = [1, 1]} : vector<32x4096xf32> to vector<32x1024xf32>
      %logistic3A = arith.negf %slice3A : vector<32x1024xf32>
      %logistic3A_18 = math.exp %logistic3A : vector<32x1024xf32>
      %logistic3A_19 = arith.constant 1.000000e+00 : f32
      %logistic3A_20 = vector.broadcast %logistic3A_19 : f32 to vector<32x1024xf32>
      %logistic3A_21 = arith.addf %logistic3A_20, %logistic3A_18 : vector<32x1024xf32>
      %logistic3A_22 = arith.divf %logistic3A_20, %logistic3A_21 : vector<32x1024xf32>
      %slice3A_23 = vector.extract_strided_slice %add3A {offsets = [0, 1024], sizes = [32, 1024], strides = [1, 1]} : vector<32x4096xf32> to vector<32x1024xf32>
      %logistic3A_24 = arith.negf %slice3A_23 : vector<32x1024xf32>
      %logistic3A_25 = math.exp %logistic3A_24 : vector<32x1024xf32>
      %logistic3A_26 = arith.constant 1.000000e+00 : f32
      %logistic3A_27 = vector.broadcast %logistic3A_26 : f32 to vector<32x1024xf32>
      %logistic3A_28 = arith.addf %logistic3A_27, %logistic3A_25 : vector<32x1024xf32>
      %logistic3A_29 = arith.divf %logistic3A_27, %logistic3A_28 : vector<32x1024xf32>
      %slice3A_30 = vector.extract_strided_slice %add3A {offsets = [0, 2048], sizes = [32, 1024], strides = [1, 1]} : vector<32x4096xf32> to vector<32x1024xf32>
      %tanh3A = math.tanh %slice3A_30 : vector<32x1024xf32>
      %slice3A_31 = vector.extract_strided_slice %add3A {offsets = [0, 3072], sizes = [32, 1024], strides = [1, 1]} : vector<32x4096xf32> to vector<32x1024xf32>
      %logistic3A_32 = arith.negf %slice3A_31 : vector<32x1024xf32>
      %logistic3A_33 = math.exp %logistic3A_32 : vector<32x1024xf32>
      %logistic3A_34 = arith.constant 1.000000e+00 : f32
      %logistic3A_35 = vector.broadcast %logistic3A_34 : f32 to vector<32x1024xf32>
      %logistic3A_36 = arith.addf %logistic3A_35, %logistic3A_33 : vector<32x1024xf32>
      %logistic3A_37 = arith.divf %logistic3A_35, %logistic3A_36 : vector<32x1024xf32>
      %mul3A = arith.mulf %logistic3A_29, %scan3A_8 : vector<32x1024xf32>
      %mul3A_38 = arith.mulf %logistic3A_22, %tanh3A : vector<32x1024xf32>
      %add3A_39 = arith.addf %mul3A, %mul3A_38 : vector<32x1024xf32>
      %tanh3A_40 = math.tanh %add3A_39 : vector<32x1024xf32>
      %mul3A_41 = arith.mulf %logistic3A_37, %tanh3A_40 : vector<32x1024xf32>
      %convert_element_type3A_42 = arith.truncf %mul3A_41 : vector<32x1024xf32> to vector<32x1024xbf16>
      %swap3A = arith.index_cast %scan3A_6 : i32 to index
      %swap3A_43 = arith.constant 0 : index
      %swap3A_44 = arith.constant 0 : index
      %swap3A_45 = vector.load %arg2[%swap3A, %swap3A_43, %swap3A_44] : memref<64x32x1024xbf16, #tpu.memory_space<vmem>>, vector<1x32x1024xbf16>
      %swap3A_46 = vector.shape_cast %swap3A_45 : vector<1x32x1024xbf16> to vector<32x1024xbf16>
      %swap3A_47 = vector.shape_cast %convert_element_type3A_42 : vector<32x1024xbf16> to vector<1x32x1024xbf16>
      tpu.vector_store %arg2[%swap3A, %swap3A_43, %swap3A_44], %swap3A_47 {strides = array<i32>} : memref<64x32x1024xbf16, #tpu.memory_space<vmem>>, vector<1x32x1024xbf16>,
      %scan3A_48 = arith.constant 1 : i32
      %scan3A_49 = arith.addi %scan3A_6, %scan3A_48 : i32
      %get3A_50 = arith.index_cast %scan3A_49 : i32 to index
      %get3A_51 = arith.constant 0 : index
      %get3A_52 = arith.constant 0 : index
      %get3A_53 = vector.load %arg0[%get3A_50, %get3A_51, %get3A_52] : memref<64x32x4096xbf16, #tpu.memory_space<vmem>>, vector<1x32x4096xbf16>
      %get3A_54 = vector.shape_cast %get3A_53 : vector<1x32x4096xbf16> to vector<32x4096xbf16>
      %convert_element_type3A_55 = arith.extf %get3A_54 : vector<32x4096xbf16> to vector<32x4096xf32>
      %get3A_56 = arith.constant 0 : index
      %get3A_57 = arith.constant 0 : index
      %get3A_58 = vector.load %arg1[%get3A_56, %get3A_57] : memref<4096x1024xbf16, #tpu.memory_space<vmem>>, vector<4096x1024xbf16>
      %convert_element_type3A_59 = arith.truncf %mul3A_41 : vector<32x1024xf32> to vector<32x1024xbf16>
      %dot_general3A_60 = arith.constant dense<0.000000e+00> : vector<32x4096xf32>
      %dot_general3A_61 = tpu.matmul %convert_element_type3A_59, %get3A_58, %dot_general3A_60 {dimension_numbers = #tpu.dot_dimension_numbers<[1], [1], [0], [0], [0, 0, 1, 0], [], []>, transpose_lhs_hint = false} : vector<32x1024xbf16>, vector<4096x1024xbf16>, vector<32x4096xf32> -> vector<32x4096xf32>
      %add3A_62 = arith.addf %convert_element_type3A_55, %dot_general3A_61 : vector<32x4096xf32>
      %slice3A_63 = vector.extract_strided_slice %add3A_62 {offsets = [0, 0], sizes = [32, 1024], strides = [1, 1]} : vector<32x4096xf32> to vector<32x1024xf32>
      %logistic3A_64 = arith.negf %slice3A_63 : vector<32x1024xf32>
      %logistic3A_65 = math.exp %logistic3A_64 : vector<32x1024xf32>
      %logistic3A_66 = arith.constant 1.000000e+00 : f32
      %logistic3A_67 = vector.broadcast %logistic3A_66 : f32 to vector<32x1024xf32>
      %logistic3A_68 = arith.addf %logistic3A_67, %logistic3A_65 : vector<32x1024xf32>
      %logistic3A_69 = arith.divf %logistic3A_67, %logistic3A_68 : vector<32x1024xf32>
      %slice3A_70 = vector.extract_strided_slice %add3A_62 {offsets = [0, 1024], sizes = [32, 1024], strides = [1, 1]} : vector<32x4096xf32> to vector<32x1024xf32>
      %logistic3A_71 = arith.negf %slice3A_70 : vector<32x1024xf32>
      %logistic3A_72 = math.exp %logistic3A_71 : vector<32x1024xf32>
      %logistic3A_73 = arith.constant 1.000000e+00 : f32
      %logistic3A_74 = vector.broadcast %logistic3A_73 : f32 to vector<32x1024xf32>
      %logistic3A_75 = arith.addf %logistic3A_74, %logistic3A_72 : vector<32x1024xf32>
      %logistic3A_76 = arith.divf %logistic3A_74, %logistic3A_75 : vector<32x1024xf32>
      %slice3A_77 = vector.extract_strided_slice %add3A_62 {offsets = [0, 2048], sizes = [32, 1024], strides = [1, 1]} : vector<32x4096xf32> to vector<32x1024xf32>
      %tanh3A_78 = math.tanh %slice3A_77 : vector<32x1024xf32>
      %slice3A_79 = vector.extract_strided_slice %add3A_62 {offsets = [0, 3072], sizes = [32, 1024], strides = [1, 1]} : vector<32x4096xf32> to vector<32x1024xf32>
      %logistic3A_80 = arith.negf %slice3A_79 : vector<32x1024xf32>
      %logistic3A_81 = math.exp %logistic3A_80 : vector<32x1024xf32>
      %logistic3A_82 = arith.constant 1.000000e+00 : f32
      %logistic3A_83 = vector.broadcast %logistic3A_82 : f32 to vector<32x1024xf32>
      %logistic3A_84 = arith.addf %logistic3A_83, %logistic3A_81 : vector<32x1024xf32>
      %logistic3A_85 = arith.divf %logistic3A_83, %logistic3A_84 : vector<32x1024xf32>
      %mul3A_86 = arith.mulf %logistic3A_76, %add3A_39 : vector<32x1024xf32>
      %mul3A_87 = arith.mulf %logistic3A_69, %tanh3A_78 : vector<32x1024xf32>
      %add3A_88 = arith.addf %mul3A_86, %mul3A_87 : vector<32x1024xf32>
      %tanh3A_89 = math.tanh %add3A_88 : vector<32x1024xf32>
      %mul3A_90 = arith.mulf %logistic3A_85, %tanh3A_89 : vector<32x1024xf32>
      %convert_element_type3A_91 = arith.truncf %mul3A_90 : vector<32x1024xf32> to vector<32x1024xbf16>
      %swap3A_92 = arith.index_cast %scan3A_49 : i32 to index
      %swap3A_93 = arith.constant 0 : index
      %swap3A_94 = arith.constant 0 : index
      %swap3A_95 = vector.load %arg2[%swap3A_92, %swap3A_93, %swap3A_94] : memref<64x32x1024xbf16, #tpu.memory_space<vmem>>, vector<1x32x1024xbf16>
      %swap3A_96 = vector.shape_cast %swap3A_95 : vector<1x32x1024xbf16> to vector<32x1024xbf16>
      %swap3A_97 = vector.shape_cast %convert_element_type3A_91 : vector<32x1024xbf16> to vector<1x32x1024xbf16>
      tpu.vector_store %arg2[%swap3A_92, %swap3A_93, %swap3A_94], %swap3A_97 {strides = array<i32>} : memref<64x32x1024xbf16, #tpu.memory_space<vmem>>, vector<1x32x1024xbf16>,
      %scan3A_98 = arith.constant 2 : i32
      %scan3A_99 = arith.addi %scan3A_6, %scan3A_98 : i32
      %get3A_100 = arith.index_cast %scan3A_99 : i32 to index
      %get3A_101 = arith.constant 0 : index
      %get3A_102 = arith.constant 0 : index
      %get3A_103 = vector.load %arg0[%get3A_100, %get3A_101, %get3A_102] : memref<64x32x4096xbf16, #tpu.memory_space<vmem>>, vector<1x32x4096xbf16>
      %get3A_104 = vector.shape_cast %get3A_103 : vector<1x32x4096xbf16> to vector<32x4096xbf16>
      %convert_element_type3A_105 = arith.extf %get3A_104 : vector<32x4096xbf16> to vector<32x4096xf32>
      %get3A_106 = arith.constant 0 : index
      %get3A_107 = arith.constant 0 : index
      %get3A_108 = vector.load %arg1[%get3A_106, %get3A_107] : memref<4096x1024xbf16, #tpu.memory_space<vmem>>, vector<4096x1024xbf16>
      %convert_element_type3A_109 = arith.truncf %mul3A_90 : vector<32x1024xf32> to vector<32x1024xbf16>
      %dot_general3A_110 = arith.constant dense<0.000000e+00> : vector<32x4096xf32>
      %dot_general3A_111 = tpu.matmul %convert_element_type3A_109, %get3A_108, %dot_general3A_110 {dimension_numbers = #tpu.dot_dimension_numbers<[1], [1], [0], [0], [0, 0, 1, 0], [], []>, transpose_lhs_hint = false} : vector<32x1024xbf16>, vector<4096x1024xbf16>, vector<32x4096xf32> -> vector<32x4096xf32>
      %add3A_112 = arith.addf %convert_element_type3A_105, %dot_general3A_111 : vector<32x4096xf32>
      %slice3A_113 = vector.extract_strided_slice %add3A_112 {offsets = [0, 0], sizes = [32, 1024], strides = [1, 1]} : vector<32x4096xf32> to vector<32x1024xf32>
      %logistic3A_114 = arith.negf %slice3A_113 : vector<32x1024xf32>
      %logistic3A_115 = math.exp %logistic3A_114 : vector<32x1024xf32>
      %logistic3A_116 = arith.constant 1.000000e+00 : f32
      %logistic3A_117 = vector.broadcast %logistic3A_116 : f32 to vector<32x1024xf32>
      %logistic3A_118 = arith.addf %logistic3A_117, %logistic3A_115 : vector<32x1024xf32>
      %logistic3A_119 = arith.divf %logistic3A_117, %logistic3A_118 : vector<32x1024xf32>
      %slice3A_120 = vector.extract_strided_slice %add3A_112 {offsets = [0, 1024], sizes = [32, 1024], strides = [1, 1]} : vector<32x4096xf32> to vector<32x1024xf32>
      %logistic3A_121 = arith.negf %slice3A_120 : vector<32x1024xf32>
      %logistic3A_122 = math.exp %logistic3A_121 : vector<32x1024xf32>
      %logistic3A_123 = arith.constant 1.000000e+00 : f32
      %logistic3A_124 = vector.broadcast %logistic3A_123 : f32 to vector<32x1024xf32>
      %logistic3A_125 = arith.addf %logistic3A_124, %logistic3A_122 : vector<32x1024xf32>
      %logistic3A_126 = arith.divf %logistic3A_124, %logistic3A_125 : vector<32x1024xf32>
      %slice3A_127 = vector.extract_strided_slice %add3A_112 {offsets = [0, 2048], sizes = [32, 1024], strides = [1, 1]} : vector<32x4096xf32> to vector<32x1024xf32>
      %tanh3A_128 = math.tanh %slice3A_127 : vector<32x1024xf32>
      %slice3A_129 = vector.extract_strided_slice %add3A_112 {offsets = [0, 3072], sizes = [32, 1024], strides = [1, 1]} : vector<32x4096xf32> to vector<32x1024xf32>
      %logistic3A_130 = arith.negf %slice3A_129 : vector<32x1024xf32>
      %logistic3A_131 = math.exp %logistic3A_130 : vector<32x1024xf32>
      %logistic3A_132 = arith.constant 1.000000e+00 : f32
      %logistic3A_133 = vector.broadcast %logistic3A_132 : f32 to vector<32x1024xf32>
      %logistic3A_134 = arith.addf %logistic3A_133, %logistic3A_131 : vector<32x1024xf32>
      %logistic3A_135 = arith.divf %logistic3A_133, %logistic3A_134 : vector<32x1024xf32>
      %mul3A_136 = arith.mulf %logistic3A_126, %add3A_88 : vector<32x1024xf32>
      %mul3A_137 = arith.mulf %logistic3A_119, %tanh3A_128 : vector<32x1024xf32>
      %add3A_138 = arith.addf %mul3A_136, %mul3A_137 : vector<32x1024xf32>
      %tanh3A_139 = math.tanh %add3A_138 : vector<32x1024xf32>
      %mul3A_140 = arith.mulf %logistic3A_135, %tanh3A_139 : vector<32x1024xf32>
      %convert_element_type3A_141 = arith.truncf %mul3A_140 : vector<32x1024xf32> to vector<32x1024xbf16>
      %swap3A_142 = arith.index_cast %scan3A_99 : i32 to index
      %swap3A_143 = arith.constant 0 : index
      %swap3A_144 = arith.constant 0 : index
      %swap3A_145 = vector.load %arg2[%swap3A_142, %swap3A_143, %swap3A_144] : memref<64x32x1024xbf16, #tpu.memory_space<vmem>>, vector<1x32x1024xbf16>
      %swap3A_146 = vector.shape_cast %swap3A_145 : vector<1x32x1024xbf16> to vector<32x1024xbf16>
      %swap3A_147 = vector.shape_cast %convert_element_type3A_141 : vector<32x1024xbf16> to vector<1x32x1024xbf16>
      tpu.vector_store %arg2[%swap3A_142, %swap3A_143, %swap3A_144], %swap3A_147 {strides = array<i32>} : memref<64x32x1024xbf16, #tpu.memory_space<vmem>>, vector<1x32x1024xbf16>,
      %scan3A_148 = arith.constant 3 : i32
      %scan3A_149 = arith.addi %scan3A_6, %scan3A_148 : i32
      %get3A_150 = arith.index_cast %scan3A_149 : i32 to index
      %get3A_151 = arith.constant 0 : index
      %get3A_152 = arith.constant 0 : index
      %get3A_153 = vector.load %arg0[%get3A_150, %get3A_151, %get3A_152] : memref<64x32x4096xbf16, #tpu.memory_space<vmem>>, vector<1x32x4096xbf16>
      %get3A_154 = vector.shape_cast %get3A_153 : vector<1x32x4096xbf16> to vector<32x4096xbf16>
      %convert_element_type3A_155 = arith.extf %get3A_154 : vector<32x4096xbf16> to vector<32x4096xf32>
      %get3A_156 = arith.constant 0 : index
      %get3A_157 = arith.constant 0 : index
      %get3A_158 = vector.load %arg1[%get3A_156, %get3A_157] : memref<4096x1024xbf16, #tpu.memory_space<vmem>>, vector<4096x1024xbf16>
      %convert_element_type3A_159 = arith.truncf %mul3A_140 : vector<32x1024xf32> to vector<32x1024xbf16>
      %dot_general3A_160 = arith.constant dense<0.000000e+00> : vector<32x4096xf32>
      %dot_general3A_161 = tpu.matmul %convert_element_type3A_159, %get3A_158, %dot_general3A_160 {dimension_numbers = #tpu.dot_dimension_numbers<[1], [1], [0], [0], [0, 0, 1, 0], [], []>, transpose_lhs_hint = false} : vector<32x1024xbf16>, vector<4096x1024xbf16>, vector<32x4096xf32> -> vector<32x4096xf32>
      %add3A_162 = arith.addf %convert_element_type3A_155, %dot_general3A_161 : vector<32x4096xf32>
      %slice3A_163 = vector.extract_strided_slice %add3A_162 {offsets = [0, 0], sizes = [32, 1024], strides = [1, 1]} : vector<32x4096xf32> to vector<32x1024xf32>
      %logistic3A_164 = arith.negf %slice3A_163 : vector<32x1024xf32>
      %logistic3A_165 = math.exp %logistic3A_164 : vector<32x1024xf32>
      %logistic3A_166 = arith.constant 1.000000e+00 : f32
      %logistic3A_167 = vector.broadcast %logistic3A_166 : f32 to vector<32x1024xf32>
      %logistic3A_168 = arith.addf %logistic3A_167, %logistic3A_165 : vector<32x1024xf32>
      %logistic3A_169 = arith.divf %logistic3A_167, %logistic3A_168 : vector<32x1024xf32>
      %slice3A_170 = vector.extract_strided_slice %add3A_162 {offsets = [0, 1024], sizes = [32, 1024], strides = [1, 1]} : vector<32x4096xf32> to vector<32x1024xf32>
      %logistic3A_171 = arith.negf %slice3A_170 : vector<32x1024xf32>
      %logistic3A_172 = math.exp %logistic3A_171 : vector<32x1024xf32>
      %logistic3A_173 = arith.constant 1.000000e+00 : f32
      %logistic3A_174 = vector.broadcast %logistic3A_173 : f32 to vector<32x1024xf32>
      %logistic3A_175 = arith.addf %logistic3A_174, %logistic3A_172 : vector<32x1024xf32>
      %logistic3A_176 = arith.divf %logistic3A_174, %logistic3A_175 : vector<32x1024xf32>
      %slice3A_177 = vector.extract_strided_slice %add3A_162 {offsets = [0, 2048], sizes = [32, 1024], strides = [1, 1]} : vector<32x4096xf32> to vector<32x1024xf32>
      %tanh3A_178 = math.tanh %slice3A_177 : vector<32x1024xf32>
      %slice3A_179 = vector.extract_strided_slice %add3A_162 {offsets = [0, 3072], sizes = [32, 1024], strides = [1, 1]} : vector<32x4096xf32> to vector<32x1024xf32>
      %logistic3A_180 = arith.negf %slice3A_179 : vector<32x1024xf32>
      %logistic3A_181 = math.exp %logistic3A_180 : vector<32x1024xf32>
      %logistic3A_182 = arith.constant 1.000000e+00 : f32
      %logistic3A_183 = vector.broadcast %logistic3A_182 : f32 to vector<32x1024xf32>
      %logistic3A_184 = arith.addf %logistic3A_183, %logistic3A_181 : vector<32x1024xf32>
      %logistic3A_185 = arith.divf %logistic3A_183, %logistic3A_184 : vector<32x1024xf32>
      %mul3A_186 = arith.mulf %logistic3A_176, %add3A_138 : vector<32x1024xf32>
      %mul3A_187 = arith.mulf %logistic3A_169, %tanh3A_178 : vector<32x1024xf32>
      %add3A_188 = arith.addf %mul3A_186, %mul3A_187 : vector<32x1024xf32>
      %tanh3A_189 = math.tanh %add3A_188 : vector<32x1024xf32>
      %mul3A_190 = arith.mulf %logistic3A_185, %tanh3A_189 : vector<32x1024xf32>
      %convert_element_type3A_191 = arith.truncf %mul3A_190 : vector<32x1024xf32> to vector<32x1024xbf16>
      %swap3A_192 = arith.index_cast %scan3A_149 : i32 to index
      %swap3A_193 = arith.constant 0 : index
      %swap3A_194 = arith.constant 0 : index
      %swap3A_195 = vector.load %arg2[%swap3A_192, %swap3A_193, %swap3A_194] : memref<64x32x1024xbf16, #tpu.memory_space<vmem>>, vector<1x32x1024xbf16>
      %swap3A_196 = vector.shape_cast %swap3A_195 : vector<1x32x1024xbf16> to vector<32x1024xbf16>
      %swap3A_197 = vector.shape_cast %convert_element_type3A_191 : vector<32x1024xbf16> to vector<1x32x1024xbf16>
      tpu.vector_store %arg2[%swap3A_192, %swap3A_193, %swap3A_194], %swap3A_197 {strides = array<i32>} : memref<64x32x1024xbf16, #tpu.memory_space<vmem>>, vector<1x32x1024xbf16>,
      scf.yield %mul3A_190, %add3A_188 : vector<32x1024xf32>, vector<32x1024xf32>
    }
    %scan3A_5 = arith.constant 64 : i32
    return
  }
}

module attributes {stable_mosaic.version = 14 : i64} {
  func.func @_mm_bias_krn(%arg0: i32, %arg1: memref<512x1024xbf16, #tpu.memory_space<vmem>>, %arg2: memref<4096x1024xf32, #tpu.memory_space<vmem>>, %arg3: memref<1x4096xf32, #tpu.memory_space<vmem>>, %arg4: memref<512x4096xbf16, #tpu.memory_space<vmem>>) attributes {dimension_semantics = [#tpu.dimension_semantics<arbitrary>], iteration_bounds = array<i64: 4>, scalar_prefetch = 0 : i64, scratch_operands = 0 : i64, tpu.core_type = #tpu.core_type<tc>, window_params = [{transform_indices = @transform_0, window_bounds = array<i64: 512, 1024>}, {pipeline_mode = #tpu.pipeline_mode<synchronous>, transform_indices = @transform_1, window_bounds = array<i64: 4096, 1024>}, {pipeline_mode = #tpu.pipeline_mode<synchronous>, transform_indices = @transform_2, window_bounds = array<i64: 1, 4096>}, {transform_indices = @transform_3, window_bounds = array<i64: 512, 4096>}]} {
    %get3A = arith.constant 0 : index
    %get3A_0 = arith.constant 0 : index
    %get3A_1 = vector.load %arg1[%get3A, %get3A_0] : memref<512x1024xbf16, #tpu.memory_space<vmem>>, vector<512x1024xbf16>
    %get3A_2 = arith.constant 0 : index
    %get3A_3 = arith.constant 0 : index
    %get3A_4 = vector.load %arg2[%get3A_2, %get3A_3] : memref<4096x1024xf32, #tpu.memory_space<vmem>>, vector<4096x1024xf32>
    %convert_element_type3A = arith.truncf %get3A_4 : vector<4096x1024xf32> to vector<4096x1024xbf16>
    %dot_general3A = arith.constant dense<0.000000e+00> : vector<512x4096xf32>
    %dot_general3A_5 = tpu.matmul %get3A_1, %convert_element_type3A, %dot_general3A {dimension_numbers = #tpu.dot_dimension_numbers<[1], [1], [0], [0], [0, 0, 1, 0], [], []>, transpose_lhs_hint = false} : vector<512x1024xbf16>, vector<4096x1024xbf16>, vector<512x4096xf32> -> vector<512x4096xf32>
    %get3A_6 = arith.constant 0 : index
    %get3A_7 = arith.constant 0 : index
    %get3A_8 = vector.load %arg3[%get3A_6, %get3A_7] : memref<1x4096xf32, #tpu.memory_space<vmem>>, vector<1x4096xf32>
    %add3A = vector.broadcast %get3A_8 : vector<1x4096xf32> to vector<512x4096xf32>
    %add3A_9 = arith.addf %dot_general3A_5, %add3A : vector<512x4096xf32>
    %convert_element_type3A_10 = arith.truncf %add3A_9 : vector<512x4096xf32> to vector<512x4096xbf16>
    %swap3A = arith.constant 0 : index
    %swap3A_11 = arith.constant 0 : index
    %swap3A_12 = vector.load %arg4[%swap3A, %swap3A_11] : memref<512x4096xbf16, #tpu.memory_space<vmem>>, vector<512x4096xbf16>
    tpu.vector_store %arg4[%swap3A, %swap3A_11], %convert_element_type3A_10 {strides = array<i32>} : memref<512x4096xbf16, #tpu.memory_space<vmem>>, vector<512x4096xbf16>,
    return
  }
  func.func @transform_0(%arg0: i32) -> (i32, i32) {
    %c0_i32 = arith.constant 0 : i32
    %c0_i32_0 = arith.constant 0 : i32
    return %arg0, %c0_i32 : i32, i32
  }
  func.func @transform_1(%arg0: i32) -> (i32, i32) {
    %c0_i32 = arith.constant 0 : i32
    %c0_i32_0 = arith.constant 0 : i32
    %c0_i32_1 = arith.constant 0 : i32
    return %c0_i32, %c0_i32_0 : i32, i32
  }
  func.func @transform_2(%arg0: i32) -> (i32, i32) {
    %c0_i32 = arith.constant 0 : i32
    %c0_i32_0 = arith.constant 0 : i32
    %c0_i32_1 = arith.constant 0 : i32
    return %c0_i32, %c0_i32_0 : i32, i32
  }
  func.func @transform_3(%arg0: i32) -> (i32, i32) {
    %c0_i32 = arith.constant 0 : i32
    %c0_i32_0 = arith.constant 0 : i32
    return %arg0, %c0_i32 : i32, i32
  }
}

module attributes {stable_mosaic.version = 14 : i64} {
  func.func @_fc_krn(%arg0: i32, %arg1: memref<32x1024xbf16, #tpu.memory_space<vmem>>, %arg2: memref<3200x1024xf32, #tpu.memory_space<vmem>>, %arg3: memref<1x3200xf32, #tpu.memory_space<vmem>>, %arg4: memref<32x3200xf32, #tpu.memory_space<vmem>>) attributes {dimension_semantics = [#tpu.dimension_semantics<arbitrary>], iteration_bounds = array<i64: 10>, scalar_prefetch = 0 : i64, scratch_operands = 0 : i64, tpu.core_type = #tpu.core_type<tc>, window_params = [{pipeline_mode = #tpu.pipeline_mode<synchronous>, transform_indices = @transform_0, window_bounds = array<i64: 32, 1024>}, {transform_indices = @transform_1, window_bounds = array<i64: 3200, 1024>}, {transform_indices = @transform_2, window_bounds = array<i64: 1, 3200>}, {transform_indices = @transform_3, window_bounds = array<i64: 32, 3200>}]} {
    %get3A = arith.constant 0 : index
    %get3A_0 = arith.constant 0 : index
    %get3A_1 = vector.load %arg1[%get3A, %get3A_0] : memref<32x1024xbf16, #tpu.memory_space<vmem>>, vector<32x1024xbf16>
    %get3A_2 = arith.constant 0 : index
    %get3A_3 = arith.constant 0 : index
    %get3A_4 = vector.load %arg2[%get3A_2, %get3A_3] : memref<3200x1024xf32, #tpu.memory_space<vmem>>, vector<3200x1024xf32>
    %convert_element_type3A = arith.truncf %get3A_4 : vector<3200x1024xf32> to vector<3200x1024xbf16>
    %dot_general3A = arith.constant dense<0.000000e+00> : vector<32x3200xf32>
    %dot_general3A_5 = tpu.matmul %get3A_1, %convert_element_type3A, %dot_general3A {dimension_numbers = #tpu.dot_dimension_numbers<[1], [1], [0], [0], [0, 0, 1, 0], [], []>, transpose_lhs_hint = false} : vector<32x1024xbf16>, vector<3200x1024xbf16>, vector<32x3200xf32> -> vector<32x3200xf32>
    %get3A_6 = arith.constant 0 : index
    %get3A_7 = arith.constant 0 : index
    %get3A_8 = vector.load %arg3[%get3A_6, %get3A_7] : memref<1x3200xf32, #tpu.memory_space<vmem>>, vector<1x3200xf32>
    %add3A = vector.broadcast %get3A_8 : vector<1x3200xf32> to vector<32x3200xf32>
    %add3A_9 = arith.addf %dot_general3A_5, %add3A : vector<32x3200xf32>
    %swap3A = arith.constant 0 : index
    %swap3A_10 = arith.constant 0 : index
    %swap3A_11 = vector.load %arg4[%swap3A, %swap3A_10] : memref<32x3200xf32, #tpu.memory_space<vmem>>, vector<32x3200xf32>
    tpu.vector_store %arg4[%swap3A, %swap3A_10], %add3A_9 {strides = array<i32>} : memref<32x3200xf32, #tpu.memory_space<vmem>>, vector<32x3200xf32>,
    return
  }
  func.func @transform_0(%arg0: i32) -> (i32, i32) {
    %c0_i32 = arith.constant 0 : i32
    %c0_i32_0 = arith.constant 0 : i32
    %c0_i32_1 = arith.constant 0 : i32
    return %c0_i32, %c0_i32_0 : i32, i32
  }
  func.func @transform_1(%arg0: i32) -> (i32, i32) {
    %c0_i32 = arith.constant 0 : i32
    %c0_i32_0 = arith.constant 0 : i32
    return %arg0, %c0_i32 : i32, i32
  }
  func.func @transform_2(%arg0: i32) -> (i32, i32) {
    %c0_i32 = arith.constant 0 : i32
    %c0_i32_0 = arith.constant 0 : i32
    return %c0_i32, %arg0 : i32, i32
  }
  func.func @transform_3(%arg0: i32) -> (i32, i32) {
    %c0_i32 = arith.constant 0 : i32
    %c0_i32_0 = arith.constant 0 : i32
    return %c0_i32, %arg0 : i32, i32
  }
}

</mosaic_0001>

<sc_bundles>
// kernel: kernel.8.cloned.1.call-start
scs
__scs_entry_jumppad:
0x0: {  	(pc) =	sbr.rel $0x88, $3  }
0x1: {  	(tag) =	ssettag $0x0;
	lr =	simm.s32 $0x1  }
0x2: {  	[smem:$0x3F99] =	sst lr;
	_ =	strace $0xD0000000  }
0x3: {  	_ = 	snop  }
0x4: {  	_ = 	snop  }
0x5: {  	_ = 	snop  }
0x6: {  	_ = 	snop  }
0x7: {  	_ = 	snop  }
__scs_overlays_trampoline_lowered:
0x8: {  	[smem:$0x3FA8] =	sst s0  }
0x9: {  	[smem:$0x3FA9] =	sst s1  }
0xa: {  	[smem:$0x3FAA] =	sst s2  }
0xb: {  	[smem:$0x3FAB] =	sst s3  }
0xc: {  	[smem:$0x3FAC] =	sst s4  }
0xd: {  	[smem:$0x3FAD] =	sst s5  }
0xe: {  	[smem:$0x3FAE] =	sst s6  }
0xf: {  	[smem:$0x3FAF] =	sst s7  }
0x10: {  	[smem:$0x3FB0] =	sst s8  }
0x11: {  	[smem:$0x3FB1] =	sst s9;
	s0 =	simm.s32 @!p0 $0x0  }
0x12: {  	s1 =	sld [smem:$0x3F97];
	s0 =	simm.s32 @p0 $0x1  }
0x13: {  	[smem:$0x3FB2] =	sst s0;
	s0 =	simm.s32 @!p1 $0x0  }
0x14: {  	s2 =	sld [smem:$0x3F96];
	s0 =	simm.s32 @p1 $0x1  }
0x15: {  	[smem:$0x3FB3] =	sst s0;
	s0 =	simm.s32 @!p2 $0x0  }
0x16: {  	s3 =	sld [smem:$0x3FDB];
	s0 =	simm.s32 @p2 $0x1  }
0x17: {  	s4 =	simm.s32 $0x1BF5;
	[smem:$0x3FB5] =	sst s0  }
0x18: {  	s0 =	sld [smem:$0x3F98];
	_ =	swait.ge [sflag:s4], $0x0  }
0x19: {  	s7 =	sld [smem:$0x3F99]  }
0x1a: {  	s8 =	sadd.s32 $0xFFFFE003, lr  }
0x1b: {  	s9 =	sadd.s32 $0xFFFFFEF7, lr;
	s5 =	simm.s32 $0xFFFFFFFF;
	p2 =	slt.u32 s8, $0xFFFFF086  }
0x1c: {  	p1 =	slt.u32 s9, $0xF7A;
	s5 =	simm.s32 @!p2 $0x0  }
0x1d: {  	s5 =	simm.s32 @p1 $0x1;
	p0 =	seq.s32 s7, s2  }
0x1e: {  	s7 =	smul.u32 @!p0 $0xF7A, s2;
	p2 =	seq.s32 @!p0 s5, $0x0  }
0x1f: {  	s9 =	smul.u32 $0xF7A, s1;
	s8 =	simm.s32 @!p0 $0x1BF5;
	p2 =	por !p2, p0  }
0x20: {  	[sflag:s8] =	ssyncset.s32 @!p0 $0xFFFFF086;
	s6 =	sadd.s32 @!p0 s3, s7;
	s7 =	simm.s32 @!p0 $0x108  }
0x21: {  	s3 =	sadd.s32 s3, s9;
	s6 =	sadd.s32 @!p0 $0x88, s6;
	s7 =	simm.s32 @p2 $0x1082  }
0x22: {  	[simem:s7], [sflag:s8] =	dma.local @!p0 [hbm:s6], $0xF7A  }
0x23: {  	s9 =	sor.u32 $0xD0000000, s2;
	s6 =	simm.s32 $0x108;
	_ =	swait.ge @!p0 [sflag:s8], $0x0  }
0x24: {  	s3 =	sadd.s32 $0x88, s3;
	s6 =	simm.s32 @!p1 $0x1082;
	[sflag:s4] =	ssyncset.s32 $0xFFFFF086  }
0x25: {  	[simem:s6], [sflag:s4] =	dma.local [hbm:s3], $0xF7A  }
0x26: {  	[smem:$0x3F99] =	sst s1;
	(tag) =	ssettag s2;
	_ =	strace s9  }
0x27: {  	s1 =	sld [smem:$0x3FA9]  }
0x28: {  	s2 =	sld [smem:$0x3FAA]  }
0x29: {  	s4 =	sld [smem:$0x3FAC]  }
0x2a: {  	p0 =	seq.s32 s5, $0x0;
	s5 =	sld [smem:$0x3FAD]  }
0x2b: {  	s6 =	sld [smem:$0x3FAE]  }
0x2c: {  	s7 =	sld [smem:$0x3FAF]  }
0x2d: {  	s3 =	simm.s32 $0x108;
	s8 =	sld [smem:$0x3FB0]  }
0x2e: {  	s3 =	simm.s32 @!p0 $0x1082;
	s9 =	sld [smem:$0x3FB1]  }
0x2f: {  	lr =	sadd.s32 s0, s3;
	s0 =	sld [smem:$0x3FA8]  }
0x30: {  	s3 =	sld [smem:$0x3FAB]  }
0x31: {  	[smem:$0x3FB4] =	sst s10  }
0x32: {  	s10 =	sld [smem:$0x3FB2];
	_ =	sdelay $0x3  }
0x33: {  	p0 =	seq.s32 s10, $0x1;
	s10 =	sld [smem:$0x3FB4];
	_ =	sdelay $0x3  }
0x34: {  	[smem:$0x3FB4] =	sst s10  }
0x35: {  	s10 =	sld [smem:$0x3FB3];
	_ =	sdelay $0x3  }
0x36: {  	p1 =	seq.s32 s10, $0x1;
	s10 =	sld [smem:$0x3FB4];
	_ =	sdelay $0x3  }
0x37: {  	[smem:$0x3FB4] =	sst s10  }
0x38: {  	s10 =	sld [smem:$0x3FB5]  }
0x39: {  	_ = 	snop;
	(pc) =	sbr.ind lr, $3  }
0x3a: {  	_ = 	snop  }
0x3b: {  	_ = 	snop  }
0x3c: {  	p2 =	seq.s32 s10, $0x1;
	s10 =	sld [smem:$0x3FB4]  }
0x3d: {  	_ =	shalt  }
0x3e: {  	_ =	shalt  }
0x3f: {  	_ =	shalt  }
0x40: {  	_ =	shalt  }
0x41: {  	_ =	shalt  }
0x42: {  	_ =	shalt  }
0x43: {  	_ =	shalt  }
0x44: {  	_ =	shalt  }
0x45: {  	_ =	shalt  }
0x46: {  	_ =	shalt  }
0x47: {  	_ =	shalt  }
0x48: {  	_ =	shalt  }
0x49: {  	_ =	shalt  }
0x4a: {  	_ =	shalt  }
0x4b: {  	_ =	shalt  }
0x4c: {  	_ =	shalt  }
0x4d: {  	_ =	shalt  }
0x4e: {  	_ =	shalt  }
0x4f: {  	_ =	shalt  }
0x50: {  	_ =	shalt  }
0x51: {  	_ =	shalt  }
0x52: {  	_ =	shalt  }
0x53: {  	_ =	shalt  }
0x54: {  	_ =	shalt  }
0x55: {  	_ =	shalt  }
0x56: {  	_ =	shalt  }
0x57: {  	_ =	shalt  }
0x58: {  	_ =	shalt  }
0x59: {  	_ =	shalt  }
0x5a: {  	_ =	shalt  }
0x5b: {  	_ =	shalt  }
0x5c: {  	_ =	shalt  }
0x5d: {  	_ =	shalt  }
0x5e: {  	_ =	shalt  }
0x5f: {  	_ =	shalt  }
0x60: {  	_ =	shalt  }
0x61: {  	_ =	shalt  }
0x62: {  	_ =	shalt  }
0x63: {  	_ =	shalt  }
0x64: {  	_ =	shalt  }
0x65: {  	_ =	shalt  }
0x66: {  	_ =	shalt  }
0x67: {  	_ =	shalt  }
0x68: {  	_ =	shalt  }
0x69: {  	_ =	shalt  }
0x6a: {  	_ =	shalt  }
0x6b: {  	_ =	shalt  }
0x6c: {  	_ =	shalt  }
0x6d: {  	_ =	shalt  }
0x6e: {  	_ =	shalt  }
0x6f: {  	_ =	shalt  }
0x70: {  	_ =	shalt  }
0x71: {  	_ =	shalt  }
0x72: {  	_ =	shalt  }
0x73: {  	_ =	shalt  }
0x74: {  	_ =	shalt  }
0x75: {  	_ =	shalt  }
0x76: {  	_ =	shalt  }
0x77: {  	_ =	shalt  }
0x78: {  	_ =	shalt  }
0x79: {  	_ =	shalt  }
0x7a: {  	_ =	shalt  }
0x7b: {  	_ =	shalt  }
0x7c: {  	_ =	shalt  }
0x7d: {  	_ =	shalt  }
0x7e: {  	_ =	shalt  }
0x7f: {  	_ =	shalt  }
0x80: {  	_ =	shalt  }
0x81: {  	_ =	shalt  }
0x82: {  	_ =	shalt  }
0x83: {  	_ =	shalt  }
0x84: {  	_ =	shalt  }
0x85: {  	_ =	shalt  }
0x86: {  	_ =	shalt  }
0x87: {  	_ =	shalt  }
.Lfunc_end0:
.L_simem_size_0:
called_computation_lowered:
.L_overlay_start_0:
0x88: {  	s2 =	sld [smem:$0x3FD9]  }
0x89: {  	s3 =	sld [smem:$0x3FFE];
	_ =	sdelay $0x1  }
0x8a: {  	s1 =	srdreg.scid  }
0x8b: {  	s0 =	sand.u32 $0x1, s1  }
0x8c: {  	s17 =	sshll.u32 s0, $0xA;
	s2 =	sadd.s32 s3, s2  }
0x8d: {  	s2 =	sadd.s32 s2, s17  }
0x8e: {  	[smem:$0x3FC0] =	sst s2  }
0x8f: {  	_ = 	snop  }
0x90: {  	s2 =	sld [smem:$0x3FC8]  }
0x91: {  	s18 =	sld [smem:$0x3FD0];
	(tm) =	ssettm $0x1  }
0x92: {  	s4 =	sld [smem:$0x3FFB];
	_ =	sdelay $0x3  }
0x93: {  	_ =	strace s4  }
0x94: {  	s4 =	sld [smem:$0x3FFC];
	_ =	sdelay $0x3  }
0x95: {  	_ =	strace s4  }
0x96: {  	s4 =	sld [smem:$0x3FFD];
	_ =	sdelay $0x3  }
0x97: {  	_ =	strace s4  }
0x98: {  	_ =	strace $0x8FFFFFFF  }
0x99: {  	s19 =	sld [smem:$0x3FDB];
	_ =	sdelay $0x1  }
0x9a: {  	s5 =	simm.s32 $_scs_section_size  }
0x9b: {  	s6 =	simm.s32 $_size__tile_overlayer_lowered;
	s7 =	simm.s32 $_tile_overlayer_lowered  }
0x9c: {  	s22 =	simm.s32 $0x1BFF;
	s21 =	sshll.u32 s7, $0x1;
	s4 =	sadd.s32 s5, s19  }
0x9d: {  	s8 =	simm.s32 $0x0;
	s20 =	sshll.u32 s6, $0x1;
	s6 =	sadd.s32 s21, s4  }
0x9e: {  	[timem:s8], [sflag:s22] =	dma.local [hbm:s6], s20  }
0x9f: {  	_ =	swait.ge [sflag:s22], s20  }
0xa0: {  	s5 =	ssub.s32 $0x0, s20;
	[sflag:s22] =	ssyncset.done $0x0  }
0xa1: {  	[sflag:s22] =	ssyncadd.s32 s5;
	_ =	sdelay $0x1  }
0xa2: {  	s23 =	simm.s32 $0x1B8B  }
0xa3: {  	_ =	swait.ge [sflag:s23], $0x1  }
0xa4: {  	[sflag:s23] =	ssyncset.done $0x0  }
0xa5: {  	s25 =	simm.s32 $0x1B8E;
	s24 =	sld [smem:$0x3FFE];
	[sflag:s23] =	ssyncadd.s32 $0xFFFFFFFF  }
0xa6: {  	s26 =	simm.s32 $execute0_lowered;
	[smem:$0x3FD2] =	sst s25  }
0xa7: {  	s6 =	sshll.u32 s26, $0x1;
	_ =	strace $0x80000046;
	[dreg:$0x1] =	wrdreg $0xFFFFFFFF  }
0xa8: {  	s28 =	simm.s32 $_size_execute0_lowered;
	s4 =	sadd.s32 s4, s6;
	[dreg:$0x0] =	wrdreg $0x0  }
0xa9: {  	s6 =	sshll.u32 s28, $0x1;
	[dreg:$0x2] =	wrdreg s4  }
0xaa: {  	[dreg:$0x3] =	wrdreg s6  }
0xab: {  	[dreg:$0x4] =	wrdreg $0xC0  }
0xac: {  	_ =	task [dreg:s8], $0x5FFFF  }
0xad: {  	[dreg:$0x1] =	wrdreg $0xFFFFFFFF  }
0xae: {  	[dreg:$0x0] =	wrdreg $0x60  }
0xaf: {  	[dreg:$0x2] =	wrdreg s18  }
0xb0: {  	[dreg:$0x3] =	wrdreg s2  }
0xb1: {  	[dreg:$0x4] =	wrdreg s24  }
0xb2: {  	[dreg:$0x5] =	wrdreg $0x9  }
0xb3: {  	_ =	task.clear_ibuf [dreg:s8], $0x6FFFF;
	_ =	strace $0x90000046  }
0xb4: {  	s29 =	simm.s32 $0x9;
	_ =	strace $0x80000048  }
0xb5: {  	_ =	swait.ge [sflag:s29], $0x1  }
0xb6: {  	[sflag:s29] =	ssyncadd.s32 $0xFFFFFFFF  }
0xb7: {  	_ =	strace $0x90000048  }
0xb8: {  	_ =	sfence  }
0xb9: {  	s30 =	sld [smem:$0x0];
	_ =	sdelay $0x2  }
0xba: {  	s31 =	sshll.u32 s1, $0xD;
	s1 =	sshrl.u32 s1, $0x2  }
0xbb: {  	s3 =	sand.u32 $0x4000, s31;
	s1 =	sadd.s32 s1, s30  }
0xbc: {  	s0 =	sor.u32 s3, s0;
	s1 =	sshll.u32 s1, $0x11  }
0xbd: {  	s0 =	sor.u32 s1, s0  }
0xbe: {  	s0 =	sadd.s32 $0x8F2B, s0  }
0xbf: {  	[sflag:s0] =	ssyncadd.remote.s32 $0x1  }
0xc0: {  	_ =	sfence.sel $0xFFFF  }
0xc1: {  	[dreg:$0x0] =	wrdreg $0xFFFFFFFF;
	(pc) =	sbr.abs _section_cstart, $3  }
0xc2: {  	[dreg:$0x1] =	wrdreg $0xFFFFFFFF  }
0xc3: {  	_ =	task.clear_ibuf [dreg:s8], $0x2FFFF;
	_ =	strace $0x9FFFFFFF  }
0xc4: {  	(tm) =	ssettm $0x7FFFFFFF  }
0xc5: {  	_ =	shalt  }
tec
execute0_lowered:
.L_overlay_start_1:
0x0: {  	(tag) =	ssettag $0x1  }
0x1: {  	s1 =	rddreg [dreg:$0x0]  }
0x2: {  	s3 =	srdreg.scid;
	s2 =	rddreg [dreg:$0x1]  }
0x3: {  	s0 =	stileid.u32;
	s5 =	rddreg [dreg:$0x2];
	s15 =	simm.s32 $0x880  }
0x4: {  	s16 =	simm.s32 $0x1080;
	s17 =	simm.s32 $0x1880;
	s19 =	simm.s32 $0x2080  }
0x5: {  	s21 =	simm.s32 $0x2880;
	s4 =	sand.u32 $0x1, s3;
	s3 =	simm.s32 $0x0  }
0x6: {  	s22 =	simm.s32 $0x3080;
	s23 =	simm.s32 $0x3880;
	[smem:$0x7FF] =	sst s3  }
0x7: {  	s24 =	simm.s32 $0x4080;
	_ =	strace $0x80000047;
	[dreg:$0x6] =	wrdreg s15  }
0x8: {  	s25 =	simm.s32 $0x4880;
	s8 =	simm.s32 $0x2;
	[dreg:$0x7] =	wrdreg s16  }
0x9: {  	s26 =	simm.s32 $0x5080;
	s9 =	simm.s32 $0x80;
	[dreg:$0x8] =	wrdreg s17  }
0xa: {  	s11 =	simm.s32 $0x6080;
	s12 =	simm.s32 $0x6880;
	[dreg:$0x9] =	wrdreg s19  }
0xb: {  	s13 =	simm.s32 $0x7080;
	s28 =	simm.s32 $0xE080;
	[dreg:$0xa] =	wrdreg s21  }
0xc: {  	s29 =	simm.s32 $0xE880;
	s30 =	simm.s32 $0xF080;
	[dreg:$0xb] =	wrdreg s22  }
0xd: {  	s31 =	simm.s32 $0xF880;
	s6 =	sshll.u32 s0, $0x7;
	[dreg:$0xc] =	wrdreg s23  }
0xe: {  	s7 =	sshll.u32 s4, $0x6;
	s4 =	ssub.s32 $0x2, s4;
	[dreg:$0xd] =	wrdreg s24  }
0xf: {  	s6 =	sor.u32 s7, s6;
	s18 =	sshrl.u32 s4, $0x1;
	[dreg:$0xe] =	wrdreg s25  }
0x10: {  	[dreg:$0xf] =	wrdreg s26;
	s15 =	simm.s32 $0x8080;
	s16 =	simm.s32 $0x8880  }
0x11: {  	s17 =	simm.s32 $0x9080;
	s19 =	simm.s32 $0xA080;
	s21 =	simm.s32 $0xB080  }
0x12: {  	s22 =	simm.s32 $0xB880;
	s23 =	simm.s32 $0xC080;
	s24 =	simm.s32 $0xC880  }
0x13: {  	s25 =	simm.s32 $0xD080;
	s26 =	simm.s32 $0xD880;
	s7 =	sshll.u32 s6, $0x7  }
0x14: {  	s6 =	sshrl.u32 s6, $0x3;
	s20 =	ssub.s32 s4, s18;
	s4 =	sadd.s32 $0x100, s2  }
0x15: {  	s18 =	simm.s32 $0x9880;
	s5 =	sadd.s32 s7, s5;
	s1 =	sadd.s32 s1, s6  }
0x16: {  	v2 =	vlaneseq.u32;
	s6 =	sadd.s32 $0x300, s2;
	s7 =	smax.u32 s20, $0x1;
	s20 =	simm.s32 $0xA880  }
0x17: {  	vm0 =	vmmov $0xffff;
	v1 =	vshrl.u32 v2, $0x3;
	[dreg:$0x4] =	wrdreg s1;
	s14 =	sadd.s32 $0x1400, s5;
	s5 =	sadd.s32 $0x200, s2  }
0x18: {  	v0 =	vand.u32 $0x7, v2;
	v2 =	vor.u32 $0x8, v2;
	v1 =	vmul.u32 $0x8, v1;
	s1 =	simm.s32 $0x1;
	[dreg:$0x5] =	wrdreg s14;
	s14 =	simm.s32 $0x7880  }
.LBB2_1:
0x19: {  	s0 =	rddreg [dreg:$0x4]  }
0x1a: {  	[tilespmem:s3], [sflag:$0x2] =	stream.linear.gather [hbm4b:s0+s3], $0x40, $0x38;
	[tilespmem:$0x10080] =	vst v63  }
0x1b: {  	_ =	swait.ge [sflag:s8], $0x40  }
0x1c: {  	[sflag:s8] =	ssyncset.done $0x0  }
0x1d: {  	[sflag:s8] =	ssyncadd.s32 $0xFFFFFFC0  }
0x1e: {  	v3 =	vld [tilespmem:$0x0];
	_ =	sdelay $0x4  }
0x1f: {  	v4 =	vshll.u32 v3, $0x3  }
0x20: {  	v3 =	vand.u32 $0x7, v3;
	v4 =	vand.u32 $0xFFFFFFC0, v4  }
0x21: {  	v3 =	vor.u32 v3, v4  }
0x22: {  	v4 =	vperm.xlane v3, v0;
	_ =	sdelay $0x1  }
0x23: {  	v4 =	vadd.s32 v1, v4;
	_ =	sdelay $0x4  }
0x24: {  	[tilespmem:s9], [sflag:$0x1] =	stream.indirect_vreg.gather [hbm4b:s2+s3], $0x80, v4, vm0, $0xb8;
	[tilespmem:$0x10080] =	vst v63  }
0x25: {  	s0 =	rddreg [dreg:$0x6];
	v3 =	vperm.xlane v3, v2  }
0x26: {  	[tilespmem:s0], [sflag:$0x1] =	stream.indirect_vreg.gather [hbm4b:s4+s3], $0x80, v4, vm0, $0xb8;
	[tilespmem:$0x10080] =	vst v63  }
0x27: {  	s10 =	rddreg [dreg:$0x7];
	v3 =	vadd.s32 v1, v3  }
0x28: {  	[tilespmem:s10], [sflag:$0x1] =	stream.indirect_vreg.gather [hbm4b:s5+s3], $0x80, v4, vm0, $0xb8;
	[tilespmem:$0x10080] =	vst v63  }
0x29: {  	s0 =	rddreg [dreg:$0x8]  }
0x2a: {  	[tilespmem:s0], [sflag:$0x1] =	stream.indirect_vreg.gather [hbm4b:s6+s3], $0x80, v4, vm0, $0xb8;
	[tilespmem:$0x10080] =	vst v63  }
0x2b: {  	s10 =	rddreg [dreg:$0x9]  }
0x2c: {  	[tilespmem:s10], [sflag:$0x1] =	stream.indirect_vreg.gather [hbm4b:s2+s3], $0x80, v3, vm0, $0xb8;
	[tilespmem:$0x10080] =	vst v63  }
0x2d: {  	s0 =	rddreg [dreg:$0xa]  }
0x2e: {  	[tilespmem:s0], [sflag:$0x1] =	stream.indirect_vreg.gather [hbm4b:s4+s3], $0x80, v3, vm0, $0xb8;
	[tilespmem:$0x10080] =	vst v63  }
0x2f: {  	s10 =	rddreg [dreg:$0xb]  }
0x30: {  	[tilespmem:s10], [sflag:$0x1] =	stream.indirect_vreg.gather [hbm4b:s5+s3], $0x80, v3, vm0, $0xb8;
	[tilespmem:$0x10080] =	vst v63  }
0x31: {  	s0 =	rddreg [dreg:$0xc]  }
0x32: {  	[tilespmem:s0], [sflag:$0x1] =	stream.indirect_vreg.gather [hbm4b:s6+s3], $0x80, v3, vm0, $0xb8;
	[tilespmem:$0x10080] =	vst v63  }
0x33: {  	v3 =	vld [tilespmem:$0x10];
	_ =	sdelay $0x4  }
0x34: {  	v61 =	vshll.u32 v3, $0x3  }
0x35: {  	v3 =	vand.u32 $0x7, v3;
	v4 =	vand.u32 $0xFFFFFFC0, v61  }
0x36: {  	v3 =	vor.u32 v3, v4  }
0x37: {  	v4 =	vperm.xlane v3, v0;
	_ =	sdelay $0x1  }
0x38: {  	v4 =	vadd.s32 v1, v4;
	_ =	sdelay $0x3  }
0x39: {  	s0 =	rddreg [dreg:$0xd]  }
0x3a: {  	[tilespmem:s0], [sflag:$0x1] =	stream.indirect_vreg.gather [hbm4b:s2+s3], $0x80, v4, vm0, $0xb8;
	[tilespmem:$0x10080] =	vst v63  }
0x3b: {  	s10 =	rddreg [dreg:$0xe];
	v3 =	vperm.xlane v3, v2  }
0x3c: {  	[tilespmem:s10], [sflag:$0x1] =	stream.indirect_vreg.gather [hbm4b:s4+s3], $0x80, v4, vm0, $0xb8;
	[tilespmem:$0x10080] =	vst v63  }
0x3d: {  	v3 =	vadd.s32 v1, v3;
	s0 =	rddreg [dreg:$0xf]  }
0x3e: {  	[tilespmem:s0], [sflag:$0x1] =	stream.indirect_vreg.gather [hbm4b:s5+s3], $0x80, v4, vm0, $0xb8;
	[tilespmem:$0x10080] =	vst v63  }
0x3f: {  	s10 =	simm.s32 $0x5880  }
0x40: {  	[tilespmem:s10], [sflag:$0x1] =	stream.indirect_vreg.gather [hbm4b:s6+s3], $0x80, v4, vm0, $0xb8;
	[tilespmem:$0x10080] =	vst v63  }
0x41: {  	_ = 	snop  }
0x42: {  	[tilespmem:s11], [sflag:$0x1] =	stream.indirect_vreg.gather [hbm4b:s2+s3], $0x80, v3, vm0, $0xb8;
	[tilespmem:$0x10080] =	vst v63  }
0x43: {  	_ = 	snop  }
0x44: {  	[tilespmem:s12], [sflag:$0x1] =	stream.indirect_vreg.gather [hbm4b:s4+s3], $0x80, v3, vm0, $0xb8;
	[tilespmem:$0x10080] =	vst v63  }
0x45: {  	_ = 	snop  }
0x46: {  	[tilespmem:s13], [sflag:$0x1] =	stream.indirect_vreg.gather [hbm4b:s5+s3], $0x80, v3, vm0, $0xb8;
	[tilespmem:$0x10080] =	vst v63  }
0x47: {  	_ = 	snop  }
0x48: {  	[tilespmem:s14], [sflag:$0x1] =	stream.indirect_vreg.gather [hbm4b:s6+s3], $0x80, v3, vm0, $0xb8;
	[tilespmem:$0x10080] =	vst v63  }
0x49: {  	v3 =	vld [tilespmem:$0x20];
	_ =	sdelay $0x4  }
0x4a: {  	v62 =	vshll.u32 v3, $0x3  }
0x4b: {  	v3 =	vand.u32 $0x7, v3;
	v4 =	vand.u32 $0xFFFFFFC0, v62  }
0x4c: {  	v3 =	vor.u32 v3, v4  }
0x4d: {  	v4 =	vperm.xlane v3, v0;
	_ =	sdelay $0x1  }
0x4e: {  	v4 =	vadd.s32 v1, v4;
	_ =	sdelay $0x4  }
0x4f: {  	[tilespmem:s15], [sflag:$0x1] =	stream.indirect_vreg.gather [hbm4b:s2+s3], $0x80, v4, vm0, $0xb8;
	[tilespmem:$0x10080] =	vst v63  }
0x50: {  	v3 =	vperm.xlane v3, v2  }
0x51: {  	[tilespmem:s16], [sflag:$0x1] =	stream.indirect_vreg.gather [hbm4b:s4+s3], $0x80, v4, vm0, $0xb8;
	[tilespmem:$0x10080] =	vst v63  }
0x52: {  	v3 =	vadd.s32 v1, v3  }
0x53: {  	[tilespmem:s17], [sflag:$0x1] =	stream.indirect_vreg.gather [hbm4b:s5+s3], $0x80, v4, vm0, $0xb8;
	[tilespmem:$0x10080] =	vst v63  }
0x54: {  	_ = 	snop  }
0x55: {  	[tilespmem:s18], [sflag:$0x1] =	stream.indirect_vreg.gather [hbm4b:s6+s3], $0x80, v4, vm0, $0xb8;
	[tilespmem:$0x10080] =	vst v63  }
0x56: {  	_ = 	snop  }
0x57: {  	[tilespmem:s19], [sflag:$0x1] =	stream.indirect_vreg.gather [hbm4b:s2+s3], $0x80, v3, vm0, $0xb8;
	[tilespmem:$0x10080] =	vst v63  }
0x58: {  	_ = 	snop  }
0x59: {  	[tilespmem:s20], [sflag:$0x1] =	stream.indirect_vreg.gather [hbm4b:s4+s3], $0x80, v3, vm0, $0xb8;
	[tilespmem:$0x10080] =	vst v63  }
0x5a: {  	_ = 	snop  }
0x5b: {  	[tilespmem:s21], [sflag:$0x1] =	stream.indirect_vreg.gather [hbm4b:s5+s3], $0x80, v3, vm0, $0xb8;
	[tilespmem:$0x10080] =	vst v63  }
0x5c: {  	_ = 	snop  }
0x5d: {  	[tilespmem:s22], [sflag:$0x1] =	stream.indirect_vreg.gather [hbm4b:s6+s3], $0x80, v3, vm0, $0xb8;
	[tilespmem:$0x10080] =	vst v63  }
0x5e: {  	v3 =	vld [tilespmem:$0x30];
	_ =	sdelay $0x4  }
0x5f: {  	v63 =	vshll.u32 v3, $0x3  }
0x60: {  	v3 =	vand.u32 $0x7, v3;
	v4 =	vand.u32 $0xFFFFFFC0, v63  }
0x61: {  	v3 =	vor.u32 v3, v4  }
0x62: {  	v4 =	vperm.xlane v3, v0;
	_ =	sdelay $0x1  }
0x63: {  	v4 =	vadd.s32 v1, v4;
	_ =	sdelay $0x4  }
0x64: {  	[tilespmem:s23], [sflag:$0x1] =	stream.indirect_vreg.gather [hbm4b:s2+s3], $0x80, v4, vm0, $0xb8;
	[tilespmem:$0x10080] =	vst v63  }
0x65: {  	v3 =	vperm.xlane v3, v2  }
0x66: {  	[tilespmem:s24], [sflag:$0x1] =	stream.indirect_vreg.gather [hbm4b:s4+s3], $0x80, v4, vm0, $0xb8;
	[tilespmem:$0x10080] =	vst v63  }
0x67: {  	v3 =	vadd.s32 v1, v3  }
0x68: {  	[tilespmem:s25], [sflag:$0x1] =	stream.indirect_vreg.gather [hbm4b:s5+s3], $0x80, v4, vm0, $0xb8;
	[tilespmem:$0x10080] =	vst v63  }
0x69: {  	_ = 	snop  }
0x6a: {  	[tilespmem:s26], [sflag:$0x1] =	stream.indirect_vreg.gather [hbm4b:s6+s3], $0x80, v4, vm0, $0xb8;
	[tilespmem:$0x10080] =	vst v63  }
0x6b: {  	_ = 	snop  }
0x6c: {  	[tilespmem:s28], [sflag:$0x1] =	stream.indirect_vreg.gather [hbm4b:s2+s3], $0x80, v3, vm0, $0xb8;
	[tilespmem:$0x10080] =	vst v63  }
0x6d: {  	_ = 	snop  }
0x6e: {  	[tilespmem:s29], [sflag:$0x1] =	stream.indirect_vreg.gather [hbm4b:s4+s3], $0x80, v3, vm0, $0xb8;
	[tilespmem:$0x10080] =	vst v63  }
0x6f: {  	_ = 	snop  }
0x70: {  	[tilespmem:s30], [sflag:$0x1] =	stream.indirect_vreg.gather [hbm4b:s5+s3], $0x80, v3, vm0, $0xb8;
	[tilespmem:$0x10080] =	vst v63  }
0x71: {  	_ = 	snop  }
0x72: {  	[tilespmem:s31], [sflag:$0x1] =	stream.indirect_vreg.gather [hbm4b:s6+s3], $0x80, v3, vm0, $0xb8;
	[tilespmem:$0x10080] =	vst v63  }
0x73: {  	_ =	swait.ge [sflag:s1], $0x10000  }
0x74: {  	p0 =	sne.s32 s7, $0x1;
	[sflag:s1] =	ssyncset.done $0x0  }
.Ltmp0:
0x75: {  	s10 =	rddreg [dreg:$0x5];
	[sflag:s1] =	ssyncadd.s32 $0xFFFF0000;
	(pc) =	sbr.rel @p0 .LBB2_1-.Ltmp0, $4  }
0x76: {  	[hbm4b:s10+s3] =	stream.linear.scatter [tilespmem:s9], [sflag:$0x2], $0x10000, $0x38;
	[tilespmem:$0x10080] =	vst v63  }
0x77: {  	_ =	swait.ge [sflag:s8], $0x10000  }
0x78: {  	[sflag:s8] =	ssyncset.done $0x0  }
0x79: {  	s7 =	sadd.s32 $0xFFFFFFFF, s7;
	[sflag:s8] =	ssyncadd.s32 $0xFFFF0000  }
0x7a: {  	_ =	sfence.sel $0x180000  }
0x7b: {  	[bflag:$0x0] =	sbarrier.arrive $0xFFFF  }
0x7c: {  	_ =	strace $0x90000047  }
0x7d: {  	s0 =	stileid.u32;
	[bflag:$0x2] =	sbarrier.arrive $0xFFFF  }
0x7e: {  	p0 =	sne.s32 s0, $0x0;
	s0 =	rddreg [dreg:$0x3]  }
0x7f: {  	s0 =	sadd.s32 @!p0 $0x100000, s0  }
0x80: {  	[sflag:s0] =	ssyncadd.tile.s32 @!p0 $0x1;
	_ =	shalt  }
.Lfunc_end2:
_tile_overlayer_lowered:
.L_overlay_start_2:
0x81: {  	(tag) =	ssettag $0x2  }
0x82: {  	s0 =	rddreg [dreg:$0x0];
	s2 =	stileid.u32  }
0x83: {  	s1 =	rddreg [dreg:$0x1];
	p0 =	sne.s32 s2, $0x0  }
0x84: {  	s3 =	rddreg [dreg:$0x2];
	[bflag:$0x3] =	sbarrier.arrive $0xFFFF;
	s2 =	simm.s32 @!p0 $0x1C02  }
0x85: {  	[timem:s3], [sflag:s2] =	dma.local @!p0 [hbm:s0], s1  }
0x86: {  	s0 =	simm.s32 @!p0 $0x2  }
0x87: {  	_ =	swait.ge @!p0 [sflag:s0], s1  }
0x88: {  	s1 =	ssub.s32 @!p0 $0x0, s1;
	[sflag:s0] =	ssyncset.done @!p0 $0x0  }
0x89: {  	[sflag:s0] =	ssyncadd.s32 @!p0 s1  }
0x8a: {  	[bflag:$0x3] =	sbarrier.arrive $0xFFFF  }
0x8b: {  	_ =	shalt  }

</sc_bundles>
